<compile_context>
chip_gen: v7x
topology: tpu7x:2x2x1
jax: 0.10.2.dev20260603
libtpu: 0.0.44.dev20260713+nightly
codegen_flags: <defaults>
</compile_context>

<pallas_src>
import jax
import jax.numpy as jnp
from jax.experimental import pallas as pl
from jax.experimental.pallas import tpu as pltpu

N_NODES = 10000
N_EDGES = 320000
D_H = 128
BE = 6400
BR = 8
BC = 800
NR = N_EDGES // BC
NEG = -1e30


def _dense_body(x_ref, w_ref, as_ref, ad_ref, h_ref, als_ref, ald_ref, se_ref):
    h = jnp.dot(x_ref[...], w_ref[...], preferred_element_type=jnp.float32)
    h_ref[...] = h
    als = jnp.sum(h * as_ref[...], axis=1)
    ald = jnp.sum(h * ad_ref[...], axis=1)
    als_ref[...] = als
    ald_ref[...] = ald
    s = als + ald
    se_ref[...] = jnp.where(s >= 0, s, s * 0.2)


def _p1_body(ei_ref, m_ref, als_ref, ald_ref, se_ref, e_ref, emax_ref):
    pi = pl.program_id(0)

    @pl.when(pi == 0)
    def _():
        def init(n, c):
            emax_ref[n] = se_ref[n]
            return c
        jax.lax.fori_loop(0, N_NODES, init, 0)

    def row(r, c0):
        def body(c, _):
            i = r * BC + c
            s = ei_ref[0, i]
            d = ei_ref[1, i]
            ev = als_ref[s] + ald_ref[d]
            ev = jnp.where(ev >= 0, ev, ev * 0.2)
            ev = jnp.where(m_ref[r, c] > 0, ev, NEG)
            e_ref[r, c] = ev
            emax_ref[d] = jnp.maximum(emax_ref[d], ev)
            return _
        jax.lax.fori_loop(0, BC, body, 0)
        return c0
    jax.lax.fori_loop(0, BR, row, 0)


def _gather_d_body(ei_ref, v_ref, o_ref):
    def row(r, c0):
        def body(c, _):
            o_ref[r, c] = v_ref[ei_ref[1, r * BC + c]]
            return _
        jax.lax.fori_loop(0, BC, body, 0)
        return c0
    jax.lax.fori_loop(0, BR, row, 0)


def _p3_body(ei_ref, p_ref, den_ref):
    pi = pl.program_id(0)

    @pl.when(pi == 0)
    def _():
        def init(n, c):
            den_ref[n] = 0.0
            return c
        jax.lax.fori_loop(0, N_NODES, init, 0)

    def row(r, c0):
        def body(c, _):
            d = ei_ref[1, r * BC + c]
            den_ref[d] = den_ref[d] + p_ref[r, c]
            return _
        jax.lax.fori_loop(0, BC, body, 0)
        return c0
    jax.lax.fori_loop(0, BR, row, 0)


def _p5_body(ei_ref, p_ref2, iv_ref, h_ref, o_ref):
    pi = pl.program_id(0)

    @pl.when(pi == 0)
    def _():
        o_ref[...] = jnp.zeros_like(o_ref)

    def row(r, c0):
        def body(c, _):
            i = r * BC + c
            s = ei_ref[0, i]
            d = ei_ref[1, i]
            a = p_ref2[r, c] * iv_ref[d]
            o_ref[pl.ds(d, 1), :] = o_ref[pl.ds(d, 1), :] + a * h_ref[pl.ds(s, 1), :]
            return _
        jax.lax.fori_loop(0, BC, body, 0)
        return c0
    jax.lax.fori_loop(0, BR, row, 0)


def _mean_body(x_ref, o_ref):
    o_ref[...] = jnp.sum(x_ref[...], axis=0, keepdims=True) * (1.0 / N_NODES)


_smem_n1 = pl.BlockSpec((N_NODES,), lambda i: (0,), memory_space=pltpu.SMEM)
_smem_eb = pl.BlockSpec((BR, BC), lambda i: (i, 0), memory_space=pltpu.SMEM)
_smem_ei = pl.BlockSpec((2, BE), lambda i: (0, i), memory_space=pltpu.SMEM)
_vmem_h = pl.BlockSpec((N_NODES, D_H), lambda i: (0, 0))

_f32 = jnp.float32
_GRID = (N_EDGES // BE,)

_dense = pl.pallas_call(
    _dense_body,
    out_shape=[
        jax.ShapeDtypeStruct((N_NODES, D_H), _f32),
        jax.ShapeDtypeStruct((N_NODES,), _f32),
        jax.ShapeDtypeStruct((N_NODES,), _f32),
        jax.ShapeDtypeStruct((N_NODES,), _f32),
    ],
)

_p1 = pl.pallas_call(
    _p1_body,
    grid=_GRID,
    in_specs=[_smem_ei, _smem_eb, _smem_n1, _smem_n1, _smem_n1],
    out_specs=[_smem_eb, _smem_n1],
    out_shape=[
        jax.ShapeDtypeStruct((NR, BC), _f32),
        jax.ShapeDtypeStruct((N_NODES,), _f32),
    ],
)

_gather_d = pl.pallas_call(
    _gather_d_body,
    grid=_GRID,
    in_specs=[_smem_ei, _smem_n1],
    out_specs=_smem_eb,
    out_shape=jax.ShapeDtypeStruct((NR, BC), _f32),
)

_p3 = pl.pallas_call(
    _p3_body,
    grid=_GRID,
    in_specs=[_smem_ei, _smem_eb],
    out_specs=_smem_n1,
    out_shape=jax.ShapeDtypeStruct((N_NODES,), _f32),
)

_p5 = pl.pallas_call(
    _p5_body,
    grid=_GRID,
    in_specs=[_smem_ei, _smem_eb, _smem_n1, _vmem_h],
    out_specs=_vmem_h,
    out_shape=jax.ShapeDtypeStruct((N_NODES, D_H), _f32),
)

_mean = pl.pallas_call(
    _mean_body,
    out_shape=jax.ShapeDtypeStruct((1, D_H), _f32),
)


def _gat_layer(h_in, ei, mask_f, W, a_s, a_d, b):
    h, als, ald, se = _dense(h_in, W, a_s.reshape(1, -1), a_d.reshape(1, -1))
    e, emax = _p1(ei, mask_f.reshape(NR, BC), als, ald, se)
    em_g = _gather_d(ei, emax)
    p = jnp.exp(e - em_g)
    den_e = _p3(ei, p)
    p_self = jnp.exp(se - emax)
    denom = jnp.maximum(den_e + p_self, 1e-16)
    inv_den = 1.0 / denom
    out_e = _p5(ei, p, inv_den, h)
    return out_e + (p_self * inv_den)[:, None] * h + b[None, :]


def kernel(x, edge_index, batch, coord, W0, a_src0, a_dst0, b0, W1, a_src1, a_dst1, b1, W2, a_src2, a_dst2, b2, W3, a_src3, a_dst3, b3):
    src, dst = edge_index[0], edge_index[1]
    n = x.shape[0]
    eid = src * n + dst
    order = jnp.argsort(eid)
    se_sorted = eid[order]
    first_sorted = jnp.concatenate(
        [jnp.array([True]), se_sorted[1:] != se_sorted[:-1]])
    first = jnp.zeros((src.shape[0],), bool).at[order].set(first_sorted)
    cmask = (first & (src != dst)).astype(_f32)
    mask0 = (src != dst).astype(_f32)

    params = [
        (W0, a_src0, a_dst0, b0),
        (W1, a_src1, a_dst1, b1),
        (W2, a_src2, a_dst2, b2),
        (W3, a_src3, a_dst3, b3),
    ]
    h = jax.nn.relu(_gat_layer(x, edge_index, mask0, *params[0]))
    h = jax.nn.relu(_gat_layer(h, edge_index, cmask, *params[1]))
    h = jax.nn.relu(_gat_layer(h, edge_index, cmask, *params[2]))
    node_emb = _gat_layer(h, edge_index, cmask, *params[3])
    return _mean(node_emb)

# --- scband reference (transcript-rebuilt; emitter-appended) ---
"""Pipeline reference for scband-cluster-gnn-21973052686418 (READ-ONLY COPY).

The authoritative reference and input builder live on the scoring server;
editing this copy changes nothing except your own understanding.
"""

import jax, jax.numpy as jnp
import numpy as np

N = 10000
E = 320000
D_IN = 128
D_H = 128

def setup_inputs(seed: int = 0):
    key = jax.random.key(seed)
    ks = jax.random.split(key, 24)
    inp = {}
    inp["x"] = jax.random.normal(ks[0], (N, D_IN), jnp.float32)
    inp["edge_index"] = jax.random.randint(ks[1], (2, E), 0, N, jnp.int32)
    inp["batch"] = jnp.zeros((N,), jnp.int32)
    inp["coord"] = jax.random.normal(ks[2], (N, 3), jnp.float32)
    dims = [(D_IN, D_H), (D_H, D_H), (D_H, D_H), (D_H, D_H)]
    for l, (di, do) in enumerate(dims):
        inp[f"W{l}"] = jax.random.normal(ks[3 + 4 * l], (di, do), jnp.float32) / np.sqrt(di)
        inp[f"a_src{l}"] = jax.random.normal(ks[4 + 4 * l], (do,), jnp.float32) / np.sqrt(do)
        inp[f"a_dst{l}"] = jax.random.normal(ks[5 + 4 * l], (do,), jnp.float32) / np.sqrt(do)
        inp[f"b{l}"] = jnp.zeros((do,), jnp.float32)
    return inp

def _gat(x, src, dst, emask, W, a_s, a_d, b):
    # PyG GATConv (heads=1): remove self loops, add one self loop per node,
    # alpha = softmax_dst(leaky_relu(a_src.Wx_j + a_dst.Wx_i)), out_i = sum_j alpha_ij Wx_j + b
    n = x.shape[0]
    h = x @ W
    loop = jnp.arange(n)
    s2 = jnp.concatenate([src, loop])
    d2 = jnp.concatenate([dst, loop])
    m2 = jnp.concatenate([emask & (src != dst), jnp.ones((n,), bool)])
    al_s = (h * a_s).sum(-1)
    al_d = (h * a_d).sum(-1)
    e = jax.nn.leaky_relu(al_s[s2] + al_d[d2], 0.2)
    e = jnp.where(m2, e, -1e30)
    emax = jax.ops.segment_max(e, d2, num_segments=n)
    p = jnp.exp(e - emax[d2]) * m2
    denom = jax.ops.segment_sum(p, d2, num_segments=n)
    alpha = p / jnp.maximum(denom[d2], 1e-16)
    out = jax.ops.segment_sum(alpha[:, None] * h[s2], d2, num_segments=n)
    return out + b

def _coalesce_mask(src, dst, emask, n):
    # remove_self_loops + coalesce, expressed as a validity mask over fixed-size edge list
    eid = src * n + dst
    order = jnp.argsort(eid)
    se = eid[order]
    first_sorted = jnp.concatenate([jnp.array([True]), se[1:] != se[:-1]])
    first = jnp.zeros_like(emask).at[order].set(first_sorted)
    return emask & first & (src != dst)

def reference(x, edge_index, batch, coord, W0, a_src0, a_dst0, b0, W1, a_src1, a_dst1, b1, W2, a_src2, a_dst2, b2, W3, a_src3, a_dst3, b3):
    src, dst = edge_index[0], edge_index[1]
    n = x.shape[0]
    params = [(W0, a_src0, a_dst0, b0), (W1, a_src1, a_dst1, b1), (W2, a_src2, a_dst2, b2), (W3, a_src3, a_dst3, b3)]
    emask = jnp.ones((src.shape[0],), bool)
    h = x
    for l in range(3):
        h = jax.nn.relu(_gat(h, src, dst, emask, *params[l]))
        # dropout is identity in eval mode; cluster_and_pool with cluster_size >= n takes the
        # identity-label branch: singleton-cluster mean leaves node features unchanged, then
        # remove_self_loops + coalesce act on the (identity-mapped) edge list.
        emask = _coalesce_mask(src, dst, emask, n)
    node_emb = _gat(h, src, dst, emask, *params[3])
    num_graphs = 1
    s = jax.ops.segment_sum(node_emb, batch, num_segments=num_graphs)
    cnt = jax.ops.segment_sum(jnp.ones((n,), node_emb.dtype), batch, num_segments=num_graphs)
    return s / cnt[:, None]

if __name__ == "__main__":
    import jax
    _d = setup_inputs()
    print(jax.jit(kernel)(*tuple(_d.values())))

</pallas_src>

<mosaic_0001>
module attributes {stable_mosaic.version = 14 : i64} {
  func.func @_dense_body(%arg0: memref<10000x128xf32, #tpu.memory_space<vmem>>, %arg1: memref<128x128xf32, #tpu.memory_space<vmem>>, %arg2: memref<1x128xf32, #tpu.memory_space<vmem>>, %arg3: memref<1x128xf32, #tpu.memory_space<vmem>>, %arg4: memref<10000x128xf32, #tpu.memory_space<vmem>>, %arg5: memref<10000xf32, #tpu.memory_space<vmem>>, %arg6: memref<10000xf32, #tpu.memory_space<vmem>>, %arg7: memref<10000xf32, #tpu.memory_space<vmem>>) attributes {dimension_semantics = [], scalar_prefetch = 0 : i64, scratch_operands = 0 : i64, tpu.core_type = #tpu.core_type<tc>} {
    %get3A = arith.constant 0 : index
    %get3A_0 = arith.constant 0 : index
    %get3A_1 = vector.load %arg0[%get3A, %get3A_0] : memref<10000x128xf32, #tpu.memory_space<vmem>>, vector<10000x128xf32>
    %get3A_2 = arith.constant 0 : index
    %get3A_3 = arith.constant 0 : index
    %get3A_4 = vector.load %arg1[%get3A_2, %get3A_3] : memref<128x128xf32, #tpu.memory_space<vmem>>, vector<128x128xf32>
    %dot_general3A = arith.constant dense<0.000000e+00> : vector<10000x128xf32>
    %dot_general3A_5 = tpu.matmul %get3A_1, %get3A_4, %dot_general3A {dimension_numbers = #tpu.dot_dimension_numbers<[1], [0], [0], [1], [0, 0, 1, 1], [], []>, transpose_lhs_hint = false} : vector<10000x128xf32>, vector<128x128xf32>, vector<10000x128xf32> -> vector<10000x128xf32>
    %swap3A = arith.constant 0 : index
    %swap3A_6 = arith.constant 0 : index
    %swap3A_7 = vector.load %arg4[%swap3A, %swap3A_6] : memref<10000x128xf32, #tpu.memory_space<vmem>>, vector<10000x128xf32>
    tpu.vector_store %arg4[%swap3A, %swap3A_6], %dot_general3A_5 {strides = array<i32>} : memref<10000x128xf32, #tpu.memory_space<vmem>>, vector<10000x128xf32>,
    %get3A_8 = arith.constant 0 : index
    %get3A_9 = arith.constant 0 : index
    %get3A_10 = vector.load %arg2[%get3A_8, %get3A_9] : memref<1x128xf32, #tpu.memory_space<vmem>>, vector<1x128xf32>
    %mul3A = vector.broadcast %get3A_10 : vector<1x128xf32> to vector<10000x128xf32>
    %mul3A_11 = arith.mulf %dot_general3A_5, %mul3A : vector<10000x128xf32>
    %reduce_sum3A = arith.constant dense<0.000000e+00> : vector<10000xf32>
    %reduce_sum3A_12 = vector.multi_reduction <add>, %mul3A_11, %reduce_sum3A [1] : vector<10000x128xf32> to vector<10000xf32>
    %get3A_13 = arith.constant 0 : index
    %get3A_14 = arith.constant 0 : index
    %get3A_15 = vector.load %arg3[%get3A_13, %get3A_14] : memref<1x128xf32, #tpu.memory_space<vmem>>, vector<1x128xf32>
    %mul3A_16 = vector.broadcast %get3A_15 : vector<1x128xf32> to vector<10000x128xf32>
    %mul3A_17 = arith.mulf %dot_general3A_5, %mul3A_16 : vector<10000x128xf32>
    %reduce_sum3A_18 = arith.constant dense<0.000000e+00> : vector<10000xf32>
    %reduce_sum3A_19 = vector.multi_reduction <add>, %mul3A_17, %reduce_sum3A_18 [1] : vector<10000x128xf32> to vector<10000xf32>
    %swap3A_20 = arith.constant 0 : index
    %swap3A_21 = vector.load %arg5[%swap3A_20] : memref<10000xf32, #tpu.memory_space<vmem>>, vector<10000xf32>
    tpu.vector_store %arg5[%swap3A_20], %reduce_sum3A_12 {strides = array<i32>} : memref<10000xf32, #tpu.memory_space<vmem>>, vector<10000xf32>,
    %swap3A_22 = arith.constant 0 : index
    %swap3A_23 = vector.load %arg6[%swap3A_22] : memref<10000xf32, #tpu.memory_space<vmem>>, vector<10000xf32>
    tpu.vector_store %arg6[%swap3A_22], %reduce_sum3A_19 {strides = array<i32>} : memref<10000xf32, #tpu.memory_space<vmem>>, vector<10000xf32>,
    %add3A = arith.addf %reduce_sum3A_12, %reduce_sum3A_19 : vector<10000xf32>
    %ge3A = arith.constant 0.000000e+00 : f32
    %ge3A_24 = vector.broadcast %ge3A : f32 to vector<10000xf32>
    %ge3A_25 = arith.cmpf oge, %add3A, %ge3A_24 : vector<10000xf32>
    %mul3A_26 = arith.constant 2.000000e-01 : f32
    %mul3A_27 = vector.broadcast %mul3A_26 : f32 to vector<10000xf32>
    %mul3A_28 = arith.mulf %add3A, %mul3A_27 : vector<10000xf32>
    %select_n3A = arith.select %ge3A_25, %add3A, %mul3A_28 : vector<10000xi1>, vector<10000xf32>
    %swap3A_29 = arith.constant 0 : index
    %swap3A_30 = vector.load %arg7[%swap3A_29] : memref<10000xf32, #tpu.memory_space<vmem>>, vector<10000xf32>
    tpu.vector_store %arg7[%swap3A_29], %select_n3A {strides = array<i32>} : memref<10000xf32, #tpu.memory_space<vmem>>, vector<10000xf32>,
    return
  }
}

module attributes {stable_mosaic.version = 14 : i64} {
  func.func @_p1_body(%arg0: i32, %arg1: memref<2x6400xi32, #tpu.memory_space<smem>>, %arg2: memref<8x800xf32, #tpu.memory_space<smem>>, %arg3: memref<10000xf32, #tpu.memory_space<smem>>, %arg4: memref<10000xf32, #tpu.memory_space<smem>>, %arg5: memref<10000xf32, #tpu.memory_space<smem>>, %arg6: memref<8x800xf32, #tpu.memory_space<smem>>, %arg7: memref<10000xf32, #tpu.memory_space<smem>>) attributes {dimension_semantics = [#tpu.dimension_semantics<arbitrary>], iteration_bounds = array<i64: 50>, scalar_prefetch = 0 : i64, scratch_operands = 0 : i64, tpu.core_type = #tpu.core_type<tc>, window_params = [{transform_indices = @transform_0, window_bounds = array<i64: 2, 6400>}, {transform_indices = @transform_1, window_bounds = array<i64: 8, 800>}, {transform_indices = @transform_2, window_bounds = array<i64: 10000>}, {transform_indices = @transform_3, window_bounds = array<i64: 10000>}, {transform_indices = @transform_4, window_bounds = array<i64: 10000>}, {transform_indices = @transform_5, window_bounds = array<i64: 8, 800>}, {transform_indices = @transform_6, window_bounds = array<i64: 10000>}]} {
    %eq3A = arith.constant 0 : i32
    %eq3A_0 = arith.cmpi eq, %arg0, %eq3A : i32
    %convert_element_type3A = arith.extui %eq3A_0 : i1 to i32
    %cond3A = arith.constant 0 : i32
    %cond3A_1 = arith.cmpi ne, %convert_element_type3A, %cond3A : i32
    scf.if %cond3A_1 {
      %scan3A_6 = arith.constant 0 : i32
      %scan3A_7 = arith.constant 10000 : i32
      %scan3A_8 = arith.addi %scan3A_6, %scan3A_7 : i32
      %scan3A_9 = arith.constant 1 : i32
      scf.for %scan3A_11 = %scan3A_6 to %scan3A_8 step %scan3A_9  : i32 {
        %get3A = arith.index_cast %scan3A_11 : i32 to index
        %get3A_12 = memref.load %arg5[%get3A] : memref<10000xf32, #tpu.memory_space<smem>>
        %swap3A = arith.index_cast %scan3A_11 : i32 to index
        %swap3A_13 = memref.load %arg7[%swap3A] : memref<10000xf32, #tpu.memory_space<smem>>
        memref.store %get3A_12, %arg7[%swap3A] : memref<10000xf32, #tpu.memory_space<smem>>
      }
      %scan3A_10 = arith.constant 10000 : i32
    } else {
    }
    %scan3A = arith.constant 0 : i32
    %scan3A_2 = arith.constant 8 : i32
    %scan3A_3 = arith.addi %scan3A, %scan3A_2 : i32
    %scan3A_4 = arith.constant 1 : i32
    scf.for %scan3A_6 = %scan3A to %scan3A_3 step %scan3A_4  : i32 {
      %scan3A_7 = arith.constant 0 : i32
      %scan3A_8 = arith.constant 800 : i32
      %scan3A_9 = arith.addi %scan3A_7, %scan3A_8 : i32
      %scan3A_10 = arith.constant 1 : i32
      scf.for %scan3A_12 = %scan3A_7 to %scan3A_9 step %scan3A_10  : i32 {
        %mul3A = arith.constant 800 : i32
        %mul3A_13 = arith.muli %scan3A_6, %mul3A : i32
        %add3A = arith.addi %mul3A_13, %scan3A_12 : i32
        %get3A = arith.constant 0 : index
        %get3A_14 = arith.index_cast %add3A : i32 to index
        %get3A_15 = memref.load %arg1[%get3A, %get3A_14] : memref<2x6400xi32, #tpu.memory_space<smem>>
        %get3A_16 = arith.constant 1 : index
        %get3A_17 = arith.index_cast %add3A : i32 to index
        %get3A_18 = memref.load %arg1[%get3A_16, %get3A_17] : memref<2x6400xi32, #tpu.memory_space<smem>>
        %get3A_19 = arith.index_cast %get3A_15 : i32 to index
        %get3A_20 = memref.load %arg3[%get3A_19] : memref<10000xf32, #tpu.memory_space<smem>>
        %get3A_21 = arith.index_cast %get3A_18 : i32 to index
        %get3A_22 = memref.load %arg4[%get3A_21] : memref<10000xf32, #tpu.memory_space<smem>>
        %add3A_23 = arith.addf %get3A_20, %get3A_22 : f32
        %ge3A = arith.constant 0.000000e+00 : f32
        %ge3A_24 = arith.cmpf oge, %add3A_23, %ge3A : f32
        %mul3A_25 = arith.constant 2.000000e-01 : f32
        %mul3A_26 = arith.mulf %add3A_23, %mul3A_25 : f32
        %select_n3A = arith.select %ge3A_24, %add3A_23, %mul3A_26 : f32
        %get3A_27 = arith.index_cast %scan3A_6 : i32 to index
        %get3A_28 = arith.index_cast %scan3A_12 : i32 to index
        %get3A_29 = memref.load %arg2[%get3A_27, %get3A_28] : memref<8x800xf32, #tpu.memory_space<smem>>
        %gt3A = arith.constant 0.000000e+00 : f32
        %gt3A_30 = arith.cmpf ogt, %get3A_29, %gt3A : f32
        %jit3A = arith.constant -1.000000e+30 : f32
        %select_n3A_31 = arith.select %gt3A_30, %select_n3A, %jit3A : f32
        %swap3A = arith.index_cast %scan3A_6 : i32 to index
        %swap3A_32 = arith.index_cast %scan3A_12 : i32 to index
        %swap3A_33 = memref.load %arg6[%swap3A, %swap3A_32] : memref<8x800xf32, #tpu.memory_space<smem>>
        memref.store %select_n3A_31, %arg6[%swap3A, %swap3A_32] : memref<8x800xf32, #tpu.memory_space<smem>>
        %get3A_34 = arith.index_cast %get3A_18 : i32 to index
        %get3A_35 = memref.load %arg7[%get3A_34] : memref<10000xf32, #tpu.memory_space<smem>>
        %max3A = arith.maximumf %get3A_35, %select_n3A_31 : f32
        %swap3A_36 = arith.index_cast %get3A_18 : i32 to index
        %swap3A_37 = memref.load %arg7[%swap3A_36] : memref<10000xf32, #tpu.memory_space<smem>>
        memref.store %max3A, %arg7[%swap3A_36] : memref<10000xf32, #tpu.memory_space<smem>>
      }
      %scan3A_11 = arith.constant 800 : i32
    }
    %scan3A_5 = arith.constant 8 : i32
    return
  }
  func.func @transform_0(%arg0: i32) -> (i32, i32) {
    %c0_i32 = arith.constant 0 : i32
    %c0_i32_0 = arith.constant 0 : i32
    return %c0_i32, %arg0 : i32, i32
  }
  func.func @transform_1(%arg0: i32) -> (i32, i32) {
    %c0_i32 = arith.constant 0 : i32
    %c0_i32_0 = arith.constant 0 : i32
    return %arg0, %c0_i32 : i32, i32
  }
  func.func @transform_2(%arg0: i32) -> i32 {
    %c0_i32 = arith.constant 0 : i32
    %c0_i32_0 = arith.constant 0 : i32
    return %c0_i32 : i32
  }
  func.func @transform_3(%arg0: i32) -> i32 {
    %c0_i32 = arith.constant 0 : i32
    %c0_i32_0 = arith.constant 0 : i32
    return %c0_i32 : i32
  }
  func.func @transform_4(%arg0: i32) -> i32 {
    %c0_i32 = arith.constant 0 : i32
    %c0_i32_0 = arith.constant 0 : i32
    return %c0_i32 : i32
  }
  func.func @transform_5(%arg0: i32) -> (i32, i32) {
    %c0_i32 = arith.constant 0 : i32
    %c0_i32_0 = arith.constant 0 : i32
    return %arg0, %c0_i32 : i32, i32
  }
  func.func @transform_6(%arg0: i32) -> i32 {
    %c0_i32 = arith.constant 0 : i32
    %c0_i32_0 = arith.constant 0 : i32
    return %c0_i32 : i32
  }
}

module attributes {stable_mosaic.version = 14 : i64} {
  func.func @_gather_d_body(%arg0: i32, %arg1: memref<2x6400xi32, #tpu.memory_space<smem>>, %arg2: memref<10000xf32, #tpu.memory_space<smem>>, %arg3: memref<8x800xf32, #tpu.memory_space<smem>>) attributes {dimension_semantics = [#tpu.dimension_semantics<arbitrary>], iteration_bounds = array<i64: 50>, scalar_prefetch = 0 : i64, scratch_operands = 0 : i64, tpu.core_type = #tpu.core_type<tc>, window_params = [{transform_indices = @transform_0, window_bounds = array<i64: 2, 6400>}, {transform_indices = @transform_1, window_bounds = array<i64: 10000>}, {transform_indices = @transform_2, window_bounds = array<i64: 8, 800>}]} {
    %scan3A = arith.constant 0 : i32
    %scan3A_0 = arith.constant 8 : i32
    %scan3A_1 = arith.addi %scan3A, %scan3A_0 : i32
    %scan3A_2 = arith.constant 1 : i32
    scf.for %scan3A_4 = %scan3A to %scan3A_1 step %scan3A_2  : i32 {
      %scan3A_5 = arith.constant 0 : i32
      %scan3A_6 = arith.constant 800 : i32
      %scan3A_7 = arith.addi %scan3A_5, %scan3A_6 : i32
      %scan3A_8 = arith.constant 1 : i32
      scf.for %scan3A_10 = %scan3A_5 to %scan3A_7 step %scan3A_8  : i32 {
        %mul3A = arith.constant 800 : i32
        %mul3A_11 = arith.muli %scan3A_4, %mul3A : i32
        %add3A = arith.addi %mul3A_11, %scan3A_10 : i32
        %get3A = arith.constant 1 : index
        %get3A_12 = arith.index_cast %add3A : i32 to index
        %get3A_13 = memref.load %arg1[%get3A, %get3A_12] : memref<2x6400xi32, #tpu.memory_space<smem>>
        %get3A_14 = arith.index_cast %get3A_13 : i32 to index
        %get3A_15 = memref.load %arg2[%get3A_14] : memref<10000xf32, #tpu.memory_space<smem>>
        %swap3A = arith.index_cast %scan3A_4 : i32 to index
        %swap3A_16 = arith.index_cast %scan3A_10 : i32 to index
        %swap3A_17 = memref.load %arg3[%swap3A, %swap3A_16] : memref<8x800xf32, #tpu.memory_space<smem>>
        memref.store %get3A_15, %arg3[%swap3A, %swap3A_16] : memref<8x800xf32, #tpu.memory_space<smem>>
      }
      %scan3A_9 = arith.constant 800 : i32
    }
    %scan3A_3 = arith.constant 8 : i32
    return
  }
  func.func @transform_0(%arg0: i32) -> (i32, i32) {
    %c0_i32 = arith.constant 0 : i32
    %c0_i32_0 = arith.constant 0 : i32
    return %c0_i32, %arg0 : i32, i32
  }
  func.func @transform_1(%arg0: i32) -> i32 {
    %c0_i32 = arith.constant 0 : i32
    %c0_i32_0 = arith.constant 0 : i32
    return %c0_i32 : i32
  }
  func.func @transform_2(%arg0: i32) -> (i32, i32) {
    %c0_i32 = arith.constant 0 : i32
    %c0_i32_0 = arith.constant 0 : i32
    return %arg0, %c0_i32 : i32, i32
  }
}

module attributes {stable_mosaic.version = 14 : i64} {
  func.func @_p3_body(%arg0: i32, %arg1: memref<2x6400xi32, #tpu.memory_space<smem>>, %arg2: memref<8x800xf32, #tpu.memory_space<smem>>, %arg3: memref<10000xf32, #tpu.memory_space<smem>>) attributes {dimension_semantics = [#tpu.dimension_semantics<arbitrary>], iteration_bounds = array<i64: 50>, scalar_prefetch = 0 : i64, scratch_operands = 0 : i64, tpu.core_type = #tpu.core_type<tc>, window_params = [{transform_indices = @transform_0, window_bounds = array<i64: 2, 6400>}, {transform_indices = @transform_1, window_bounds = array<i64: 8, 800>}, {transform_indices = @transform_2, window_bounds = array<i64: 10000>}]} {
    %eq3A = arith.constant 0 : i32
    %eq3A_0 = arith.cmpi eq, %arg0, %eq3A : i32
    %convert_element_type3A = arith.extui %eq3A_0 : i1 to i32
    %cond3A = arith.constant 0 : i32
    %cond3A_1 = arith.cmpi ne, %convert_element_type3A, %cond3A : i32
    scf.if %cond3A_1 {
      %scan3A_6 = arith.constant 0 : i32
      %scan3A_7 = arith.constant 10000 : i32
      %scan3A_8 = arith.addi %scan3A_6, %scan3A_7 : i32
      %scan3A_9 = arith.constant 1 : i32
      scf.for %scan3A_11 = %scan3A_6 to %scan3A_8 step %scan3A_9  : i32 {
        %swap3A = arith.constant 0.000000e+00 : f32
        %swap3A_12 = arith.index_cast %scan3A_11 : i32 to index
        %swap3A_13 = memref.load %arg3[%swap3A_12] : memref<10000xf32, #tpu.memory_space<smem>>
        memref.store %swap3A, %arg3[%swap3A_12] : memref<10000xf32, #tpu.memory_space<smem>>
      }
      %scan3A_10 = arith.constant 10000 : i32
    } else {
    }
    %scan3A = arith.constant 0 : i32
    %scan3A_2 = arith.constant 8 : i32
    %scan3A_3 = arith.addi %scan3A, %scan3A_2 : i32
    %scan3A_4 = arith.constant 1 : i32
    scf.for %scan3A_6 = %scan3A to %scan3A_3 step %scan3A_4  : i32 {
      %scan3A_7 = arith.constant 0 : i32
      %scan3A_8 = arith.constant 800 : i32
      %scan3A_9 = arith.addi %scan3A_7, %scan3A_8 : i32
      %scan3A_10 = arith.constant 1 : i32
      scf.for %scan3A_12 = %scan3A_7 to %scan3A_9 step %scan3A_10  : i32 {
        %mul3A = arith.constant 800 : i32
        %mul3A_13 = arith.muli %scan3A_6, %mul3A : i32
        %add3A = arith.addi %mul3A_13, %scan3A_12 : i32
        %get3A = arith.constant 1 : index
        %get3A_14 = arith.index_cast %add3A : i32 to index
        %get3A_15 = memref.load %arg1[%get3A, %get3A_14] : memref<2x6400xi32, #tpu.memory_space<smem>>
        %get3A_16 = arith.index_cast %get3A_15 : i32 to index
        %get3A_17 = memref.load %arg3[%get3A_16] : memref<10000xf32, #tpu.memory_space<smem>>
        %get3A_18 = arith.index_cast %scan3A_6 : i32 to index
        %get3A_19 = arith.index_cast %scan3A_12 : i32 to index
        %get3A_20 = memref.load %arg2[%get3A_18, %get3A_19] : memref<8x800xf32, #tpu.memory_space<smem>>
        %add3A_21 = arith.addf %get3A_17, %get3A_20 : f32
        %swap3A = arith.index_cast %get3A_15 : i32 to index
        %swap3A_22 = memref.load %arg3[%swap3A] : memref<10000xf32, #tpu.memory_space<smem>>
        memref.store %add3A_21, %arg3[%swap3A] : memref<10000xf32, #tpu.memory_space<smem>>
      }
      %scan3A_11 = arith.constant 800 : i32
    }
    %scan3A_5 = arith.constant 8 : i32
    return
  }
  func.func @transform_0(%arg0: i32) -> (i32, i32) {
    %c0_i32 = arith.constant 0 : i32
    %c0_i32_0 = arith.constant 0 : i32
    return %c0_i32, %arg0 : i32, i32
  }
  func.func @transform_1(%arg0: i32) -> (i32, i32) {
    %c0_i32 = arith.constant 0 : i32
    %c0_i32_0 = arith.constant 0 : i32
    return %arg0, %c0_i32 : i32, i32
  }
  func.func @transform_2(%arg0: i32) -> i32 {
    %c0_i32 = arith.constant 0 : i32
    %c0_i32_0 = arith.constant 0 : i32
    return %c0_i32 : i32
  }
}

module attributes {stable_mosaic.version = 14 : i64} {
  func.func @_p5_body(%arg0: i32, %arg1: memref<2x6400xi32, #tpu.memory_space<smem>>, %arg2: memref<8x800xf32, #tpu.memory_space<smem>>, %arg3: memref<10000xf32, #tpu.memory_space<smem>>, %arg4: memref<10000x128xf32, #tpu.memory_space<vmem>>, %arg5: memref<10000x128xf32, #tpu.memory_space<vmem>>) attributes {dimension_semantics = [#tpu.dimension_semantics<arbitrary>], iteration_bounds = array<i64: 50>, scalar_prefetch = 0 : i64, scratch_operands = 0 : i64, tpu.core_type = #tpu.core_type<tc>, window_params = [{transform_indices = @transform_0, window_bounds = array<i64: 2, 6400>}, {transform_indices = @transform_1, window_bounds = array<i64: 8, 800>}, {transform_indices = @transform_2, window_bounds = array<i64: 10000>}, {pipeline_mode = #tpu.pipeline_mode<synchronous>, transform_indices = @transform_3, window_bounds = array<i64: 10000, 128>}, {pipeline_mode = #tpu.pipeline_mode<synchronous>, transform_indices = @transform_4, window_bounds = array<i64: 10000, 128>}]} {
    %eq3A = arith.constant 0 : i32
    %eq3A_0 = arith.cmpi eq, %arg0, %eq3A : i32
    %convert_element_type3A = arith.extui %eq3A_0 : i1 to i32
    %cond3A = arith.constant 0 : i32
    %cond3A_1 = arith.cmpi ne, %convert_element_type3A, %cond3A : i32
    scf.if %cond3A_1 {
      %broadcast_in_dim3A = arith.constant 0.000000e+00 : f32
      %broadcast_in_dim3A_6 = vector.broadcast %broadcast_in_dim3A : f32 to vector<10000x128xf32>
      %swap3A = arith.constant 0 : index
      %swap3A_7 = arith.constant 0 : index
      %swap3A_8 = vector.load %arg5[%swap3A, %swap3A_7] : memref<10000x128xf32, #tpu.memory_space<vmem>>, vector<10000x128xf32>
      tpu.vector_store %arg5[%swap3A, %swap3A_7], %broadcast_in_dim3A_6 {strides = array<i32>} : memref<10000x128xf32, #tpu.memory_space<vmem>>, vector<10000x128xf32>,
    } else {
    }
    %scan3A = arith.constant 0 : i32
    %scan3A_2 = arith.constant 8 : i32
    %scan3A_3 = arith.addi %scan3A, %scan3A_2 : i32
    %scan3A_4 = arith.constant 1 : i32
    scf.for %scan3A_6 = %scan3A to %scan3A_3 step %scan3A_4  : i32 {
      %scan3A_7 = arith.constant 0 : i32
      %scan3A_8 = arith.constant 800 : i32
      %scan3A_9 = arith.addi %scan3A_7, %scan3A_8 : i32
      %scan3A_10 = arith.constant 1 : i32
      scf.for %scan3A_12 = %scan3A_7 to %scan3A_9 step %scan3A_10  : i32 {
        %mul3A = arith.constant 800 : i32
        %mul3A_13 = arith.muli %scan3A_6, %mul3A : i32
        %add3A = arith.addi %mul3A_13, %scan3A_12 : i32
        %get3A = arith.constant 0 : index
        %get3A_14 = arith.index_cast %add3A : i32 to index
        %get3A_15 = memref.load %arg1[%get3A, %get3A_14] : memref<2x6400xi32, #tpu.memory_space<smem>>
        %get3A_16 = arith.constant 1 : index
        %get3A_17 = arith.index_cast %add3A : i32 to index
        %get3A_18 = memref.load %arg1[%get3A_16, %get3A_17] : memref<2x6400xi32, #tpu.memory_space<smem>>
        %get3A_19 = arith.index_cast %scan3A_6 : i32 to index
        %get3A_20 = arith.index_cast %scan3A_12 : i32 to index
        %get3A_21 = memref.load %arg2[%get3A_19, %get3A_20] : memref<8x800xf32, #tpu.memory_space<smem>>
        %get3A_22 = arith.index_cast %get3A_18 : i32 to index
        %get3A_23 = memref.load %arg3[%get3A_22] : memref<10000xf32, #tpu.memory_space<smem>>
        %mul3A_24 = arith.mulf %get3A_21, %get3A_23 : f32
        %get3A_25 = arith.index_cast %get3A_18 : i32 to index
        %get3A_26 = arith.constant 0 : index
        %get3A_27 = vector.load %arg5[%get3A_25, %get3A_26] : memref<10000x128xf32, #tpu.memory_space<vmem>>, vector<1x128xf32>
        %get3A_28 = arith.index_cast %get3A_15 : i32 to index
        %get3A_29 = arith.constant 0 : index
        %get3A_30 = vector.load %arg4[%get3A_28, %get3A_29] : memref<10000x128xf32, #tpu.memory_space<vmem>>, vector<1x128xf32>
        %mul3A_31 = vector.broadcast %mul3A_24 : f32 to vector<1x128xf32>
        %mul3A_32 = arith.mulf %mul3A_31, %get3A_30 : vector<1x128xf32>
        %add3A_33 = arith.addf %get3A_27, %mul3A_32 : vector<1x128xf32>
        %swap3A = arith.index_cast %get3A_18 : i32 to index
        %swap3A_34 = arith.constant 0 : index
        %swap3A_35 = vector.load %arg5[%swap3A, %swap3A_34] : memref<10000x128xf32, #tpu.memory_space<vmem>>, vector<1x128xf32>
        tpu.vector_store %arg5[%swap3A, %swap3A_34], %add3A_33 {strides = array<i32>} : memref<10000x128xf32, #tpu.memory_space<vmem>>, vector<1x128xf32>,
      }
      %scan3A_11 = arith.constant 800 : i32
    }
    %scan3A_5 = arith.constant 8 : i32
    return
  }
  func.func @transform_0(%arg0: i32) -> (i32, i32) {
    %c0_i32 = arith.constant 0 : i32
    %c0_i32_0 = arith.constant 0 : i32
    return %c0_i32, %arg0 : i32, i32
  }
  func.func @transform_1(%arg0: i32) -> (i32, i32) {
    %c0_i32 = arith.constant 0 : i32
    %c0_i32_0 = arith.constant 0 : i32
    return %arg0, %c0_i32 : i32, i32
  }
  func.func @transform_2(%arg0: i32) -> i32 {
    %c0_i32 = arith.constant 0 : i32
    %c0_i32_0 = arith.constant 0 : i32
    return %c0_i32 : i32
  }
  func.func @transform_3(%arg0: i32) -> (i32, i32) {
    %c0_i32 = arith.constant 0 : i32
    %c0_i32_0 = arith.constant 0 : i32
    %c0_i32_1 = arith.constant 0 : i32
    return %c0_i32, %c0_i32_0 : i32, i32
  }
  func.func @transform_4(%arg0: i32) -> (i32, i32) {
    %c0_i32 = arith.constant 0 : i32
    %c0_i32_0 = arith.constant 0 : i32
    %c0_i32_1 = arith.constant 0 : i32
    return %c0_i32, %c0_i32_0 : i32, i32
  }
}

module attributes {stable_mosaic.version = 14 : i64} {
  func.func @_mean_body(%arg0: memref<10000x128xf32, #tpu.memory_space<vmem>>, %arg1: memref<1x128xf32, #tpu.memory_space<vmem>>) attributes {dimension_semantics = [], scalar_prefetch = 0 : i64, scratch_operands = 0 : i64, tpu.core_type = #tpu.core_type<tc>} {
    %get3A = arith.constant 0 : index
    %get3A_0 = arith.constant 0 : index
    %get3A_1 = vector.load %arg0[%get3A, %get3A_0] : memref<10000x128xf32, #tpu.memory_space<vmem>>, vector<10000x128xf32>
    %reduce_sum3A = arith.constant dense<0.000000e+00> : vector<128xf32>
    %reduce_sum3A_2 = vector.multi_reduction <add>, %get3A_1, %reduce_sum3A [0] : vector<10000x128xf32> to vector<128xf32>
    %broadcast_in_dim3A = vector.shape_cast %reduce_sum3A_2 : vector<128xf32> to vector<1x128xf32>
    %mul3A = arith.constant 9.99999974E-5 : f32
    %mul3A_3 = vector.broadcast %mul3A : f32 to vector<1x128xf32>
    %mul3A_4 = arith.mulf %broadcast_in_dim3A, %mul3A_3 : vector<1x128xf32>
    %swap3A = arith.constant 0 : index
    %swap3A_5 = arith.constant 0 : index
    %swap3A_6 = vector.load %arg1[%swap3A, %swap3A_5] : memref<1x128xf32, #tpu.memory_space<vmem>>, vector<1x128xf32>
    tpu.vector_store %arg1[%swap3A, %swap3A_5], %mul3A_4 {strides = array<i32>} : memref<1x128xf32, #tpu.memory_space<vmem>>, vector<1x128xf32>,
    return
  }
}

</mosaic_0001>

<sc_bundles>
// kernel: gather_offload_async_start
scs
__scs_entry_jumppad:
0x0: {  	(pc) =	sbr.rel $0x88, $3  }
0x1: {  	(tag) =	ssettag $0x0;
	lr =	simm.s32 $0x1  }
0x2: {  	[smem:$0x3F8F] =	sst lr;
	_ =	strace $0xD0000000  }
0x3: {  	_ = 	snop  }
0x4: {  	_ = 	snop  }
0x5: {  	_ = 	snop  }
0x6: {  	_ = 	snop  }
0x7: {  	_ = 	snop  }
__scs_overlays_trampoline_lowered:
0x8: {  	[smem:$0x3F9E] =	sst s0  }
0x9: {  	[smem:$0x3F9F] =	sst s1  }
0xa: {  	[smem:$0x3FA0] =	sst s2  }
0xb: {  	[smem:$0x3FA1] =	sst s3  }
0xc: {  	[smem:$0x3FA2] =	sst s4  }
0xd: {  	[smem:$0x3FA3] =	sst s5  }
0xe: {  	[smem:$0x3FA4] =	sst s6  }
0xf: {  	[smem:$0x3FA5] =	sst s7  }
0x10: {  	[smem:$0x3FA6] =	sst s8  }
0x11: {  	[smem:$0x3FA7] =	sst s9;
	s0 =	simm.s32 @!p0 $0x0  }
0x12: {  	s1 =	sld [smem:$0x3F8D];
	s0 =	simm.s32 @p0 $0x1  }
0x13: {  	[smem:$0x3FA8] =	sst s0;
	s0 =	simm.s32 @!p1 $0x0  }
0x14: {  	s2 =	sld [smem:$0x3F8C];
	s0 =	simm.s32 @p1 $0x1  }
0x15: {  	[smem:$0x3FA9] =	sst s0;
	s0 =	simm.s32 @!p2 $0x0  }
0x16: {  	s3 =	sld [smem:$0x3FDB];
	s0 =	simm.s32 @p2 $0x1  }
0x17: {  	s4 =	simm.s32 $0x1BF5;
	[smem:$0x3FAB] =	sst s0  }
0x18: {  	s0 =	sld [smem:$0x3F8E];
	_ =	swait.ge [sflag:s4], $0x0  }
0x19: {  	s7 =	sld [smem:$0x3F8F]  }
0x1a: {  	s8 =	sadd.s32 $0xFFFFE003, lr  }
0x1b: {  	s9 =	sadd.s32 $0xFFFFFEF7, lr;
	s5 =	simm.s32 $0xFFFFFFFF;
	p2 =	slt.u32 s8, $0xFFFFF086  }
0x1c: {  	p1 =	slt.u32 s9, $0xF7A;
	s5 =	simm.s32 @!p2 $0x0  }
0x1d: {  	s5 =	simm.s32 @p1 $0x1;
	p0 =	seq.s32 s7, s2  }
0x1e: {  	s7 =	smul.u32 @!p0 $0xF7A, s2;
	p2 =	seq.s32 @!p0 s5, $0x0  }
0x1f: {  	s9 =	smul.u32 $0xF7A, s1;
	s8 =	simm.s32 @!p0 $0x1BF5;
	p2 =	por !p2, p0  }
0x20: {  	[sflag:s8] =	ssyncset.s32 @!p0 $0xFFFFF086;
	s6 =	sadd.s32 @!p0 s3, s7;
	s7 =	simm.s32 @!p0 $0x108  }
0x21: {  	s3 =	sadd.s32 s3, s9;
	s6 =	sadd.s32 @!p0 $0x88, s6;
	s7 =	simm.s32 @p2 $0x1082  }
0x22: {  	[simem:s7], [sflag:s8] =	dma.local @!p0 [hbm:s6], $0xF7A  }
0x23: {  	s9 =	sor.u32 $0xD0000000, s2;
	s6 =	simm.s32 $0x108;
	_ =	swait.ge @!p0 [sflag:s8], $0x0  }
0x24: {  	s3 =	sadd.s32 $0x88, s3;
	s6 =	simm.s32 @!p1 $0x1082;
	[sflag:s4] =	ssyncset.s32 $0xFFFFF086  }
0x25: {  	[simem:s6], [sflag:s4] =	dma.local [hbm:s3], $0xF7A  }
0x26: {  	[smem:$0x3F8F] =	sst s1;
	(tag) =	ssettag s2;
	_ =	strace s9  }
0x27: {  	s1 =	sld [smem:$0x3F9F]  }
0x28: {  	s2 =	sld [smem:$0x3FA0]  }
0x29: {  	s4 =	sld [smem:$0x3FA2]  }
0x2a: {  	p0 =	seq.s32 s5, $0x0;
	s5 =	sld [smem:$0x3FA3]  }
0x2b: {  	s6 =	sld [smem:$0x3FA4]  }
0x2c: {  	s7 =	sld [smem:$0x3FA5]  }
0x2d: {  	s3 =	simm.s32 $0x108;
	s8 =	sld [smem:$0x3FA6]  }
0x2e: {  	s3 =	simm.s32 @!p0 $0x1082;
	s9 =	sld [smem:$0x3FA7]  }
0x2f: {  	lr =	sadd.s32 s0, s3;
	s0 =	sld [smem:$0x3F9E]  }
0x30: {  	s3 =	sld [smem:$0x3FA1]  }
0x31: {  	[smem:$0x3FAA] =	sst s10  }
0x32: {  	s10 =	sld [smem:$0x3FA8];
	_ =	sdelay $0x3  }
0x33: {  	p0 =	seq.s32 s10, $0x1;
	s10 =	sld [smem:$0x3FAA];
	_ =	sdelay $0x3  }
0x34: {  	[smem:$0x3FAA] =	sst s10  }
0x35: {  	s10 =	sld [smem:$0x3FA9];
	_ =	sdelay $0x3  }
0x36: {  	p1 =	seq.s32 s10, $0x1;
	s10 =	sld [smem:$0x3FAA];
	_ =	sdelay $0x3  }
0x37: {  	[smem:$0x3FAA] =	sst s10  }
0x38: {  	s10 =	sld [smem:$0x3FAB]  }
0x39: {  	_ = 	snop;
	(pc) =	sbr.ind lr, $3  }
0x3a: {  	_ = 	snop  }
0x3b: {  	_ = 	snop  }
0x3c: {  	p2 =	seq.s32 s10, $0x1;
	s10 =	sld [smem:$0x3FAA]  }
0x3d: {  	_ =	shalt  }
0x3e: {  	_ =	shalt  }
0x3f: {  	_ =	shalt  }
0x40: {  	_ =	shalt  }
0x41: {  	_ =	shalt  }
0x42: {  	_ =	shalt  }
0x43: {  	_ =	shalt  }
0x44: {  	_ =	shalt  }
0x45: {  	_ =	shalt  }
0x46: {  	_ =	shalt  }
0x47: {  	_ =	shalt  }
0x48: {  	_ =	shalt  }
0x49: {  	_ =	shalt  }
0x4a: {  	_ =	shalt  }
0x4b: {  	_ =	shalt  }
0x4c: {  	_ =	shalt  }
0x4d: {  	_ =	shalt  }
0x4e: {  	_ =	shalt  }
0x4f: {  	_ =	shalt  }
0x50: {  	_ =	shalt  }
0x51: {  	_ =	shalt  }
0x52: {  	_ =	shalt  }
0x53: {  	_ =	shalt  }
0x54: {  	_ =	shalt  }
0x55: {  	_ =	shalt  }
0x56: {  	_ =	shalt  }
0x57: {  	_ =	shalt  }
0x58: {  	_ =	shalt  }
0x59: {  	_ =	shalt  }
0x5a: {  	_ =	shalt  }
0x5b: {  	_ =	shalt  }
0x5c: {  	_ =	shalt  }
0x5d: {  	_ =	shalt  }
0x5e: {  	_ =	shalt  }
0x5f: {  	_ =	shalt  }
0x60: {  	_ =	shalt  }
0x61: {  	_ =	shalt  }
0x62: {  	_ =	shalt  }
0x63: {  	_ =	shalt  }
0x64: {  	_ =	shalt  }
0x65: {  	_ =	shalt  }
0x66: {  	_ =	shalt  }
0x67: {  	_ =	shalt  }
0x68: {  	_ =	shalt  }
0x69: {  	_ =	shalt  }
0x6a: {  	_ =	shalt  }
0x6b: {  	_ =	shalt  }
0x6c: {  	_ =	shalt  }
0x6d: {  	_ =	shalt  }
0x6e: {  	_ =	shalt  }
0x6f: {  	_ =	shalt  }
0x70: {  	_ =	shalt  }
0x71: {  	_ =	shalt  }
0x72: {  	_ =	shalt  }
0x73: {  	_ =	shalt  }
0x74: {  	_ =	shalt  }
0x75: {  	_ =	shalt  }
0x76: {  	_ =	shalt  }
0x77: {  	_ =	shalt  }
0x78: {  	_ =	shalt  }
0x79: {  	_ =	shalt  }
0x7a: {  	_ =	shalt  }
0x7b: {  	_ =	shalt  }
0x7c: {  	_ =	shalt  }
0x7d: {  	_ =	shalt  }
0x7e: {  	_ =	shalt  }
0x7f: {  	_ =	shalt  }
0x80: {  	_ =	shalt  }
0x81: {  	_ =	shalt  }
0x82: {  	_ =	shalt  }
0x83: {  	_ =	shalt  }
0x84: {  	_ =	shalt  }
0x85: {  	_ =	shalt  }
0x86: {  	_ =	shalt  }
0x87: {  	_ =	shalt  }
.Lfunc_end0:
.L_simem_size_0:
called_computation_lowered:
.L_overlay_start_0:
0x88: {  	s2 =	sld [smem:$0x3FD9]  }
0x89: {  	s3 =	sld [smem:$0x3FFE];
	_ =	sdelay $0x1  }
0x8a: {  	s1 =	srdreg.scid  }
0x8b: {  	s0 =	sand.u32 $0x1, s1  }
0x8c: {  	s16 =	sshll.u32 s0, $0xA;
	s2 =	sadd.s32 s3, s2  }
0x8d: {  	s2 =	sadd.s32 s2, s16  }
0x8e: {  	[smem:$0x3FB6] =	sst s2  }
0x8f: {  	_ = 	snop  }
0x90: {  	(tm) =	ssettm $0x1  }
0x91: {  	s17 =	sld [smem:$0x3FFB];
	_ =	sdelay $0x3  }
0x92: {  	_ =	strace s17  }
0x93: {  	s2 =	sld [smem:$0x3FFC];
	_ =	sdelay $0x3  }
0x94: {  	_ =	strace s2  }
0x95: {  	s2 =	sld [smem:$0x3FFD];
	_ =	sdelay $0x3  }
0x96: {  	_ =	strace s2  }
0x97: {  	_ =	strace $0x8FFFFFFF  }
0x98: {  	s18 =	sld [smem:$0x3FDB];
	_ =	sdelay $0x1  }
0x99: {  	s19 =	simm.s32 $_scs_section_size  }
0x9a: {  	s4 =	simm.s32 $_size__tile_overlayer_lowered;
	s5 =	simm.s32 $_tile_overlayer_lowered  }
0x9b: {  	s22 =	simm.s32 $0x1BFF;
	s21 =	sshll.u32 s5, $0x1;
	s2 =	sadd.s32 s19, s18  }
0x9c: {  	s6 =	simm.s32 $0x0;
	s20 =	sshll.u32 s4, $0x1;
	s4 =	sadd.s32 s21, s2  }
0x9d: {  	[timem:s6], [sflag:s22] =	dma.local [hbm:s4], s20  }
0x9e: {  	_ =	swait.ge [sflag:s22], s20  }
0x9f: {  	s3 =	ssub.s32 $0x0, s20;
	[sflag:s22] =	ssyncset.done $0x0  }
0xa0: {  	[sflag:s22] =	ssyncadd.s32 s3;
	_ =	sdelay $0x1  }
0xa1: {  	s23 =	simm.s32 $0x1B8B  }
0xa2: {  	_ =	swait.ge [sflag:s23], $0x1  }
0xa3: {  	[sflag:s23] =	ssyncset.done $0x0  }
0xa4: {  	s25 =	simm.s32 $0x1B8E;
	s24 =	sld [smem:$0x3FFE];
	[sflag:s23] =	ssyncadd.s32 $0xFFFFFFFF  }
0xa5: {  	s26 =	simm.s32 $execute0_lowered;
	[smem:$0x3FD2] =	sst s25  }
0xa6: {  	s4 =	sshll.u32 s26, $0x1;
	_ =	strace $0x80000046;
	[dreg:$0x1] =	wrdreg $0xFFFFFFFF  }
0xa7: {  	s28 =	simm.s32 $_size_execute0_lowered;
	s2 =	sadd.s32 s2, s4;
	[dreg:$0x0] =	wrdreg $0x0  }
0xa8: {  	s4 =	sshll.u32 s28, $0x1;
	[dreg:$0x2] =	wrdreg s2  }
0xa9: {  	[dreg:$0x3] =	wrdreg s4  }
0xaa: {  	[dreg:$0x4] =	wrdreg $0xC0  }
0xab: {  	_ =	task [dreg:s6], $0x5FFFF  }
0xac: {  	[dreg:$0x1] =	wrdreg $0xFFFFFFFF  }
0xad: {  	[dreg:$0x0] =	wrdreg $0x60  }
0xae: {  	[dreg:$0x2] =	wrdreg s24  }
0xaf: {  	[dreg:$0x3] =	wrdreg $0x9  }
0xb0: {  	_ =	task.clear_ibuf [dreg:s6], $0x4FFFF;
	_ =	strace $0x90000046  }
0xb1: {  	s29 =	simm.s32 $0x9;
	_ =	strace $0x80000048  }
0xb2: {  	_ =	swait.ge [sflag:s29], $0x1  }
0xb3: {  	[sflag:s29] =	ssyncadd.s32 $0xFFFFFFFF  }
0xb4: {  	_ =	strace $0x90000048  }
0xb5: {  	_ =	sfence  }
0xb6: {  	s30 =	sld [smem:$0x0];
	_ =	sdelay $0x2  }
0xb7: {  	s31 =	sshll.u32 s1, $0xD;
	s1 =	sshrl.u32 s1, $0x2  }
0xb8: {  	s3 =	sand.u32 $0x4000, s31;
	s1 =	sadd.s32 s1, s30  }
0xb9: {  	s0 =	sor.u32 s3, s0;
	s1 =	sshll.u32 s1, $0x11  }
0xba: {  	s0 =	sor.u32 s1, s0  }
0xbb: {  	s0 =	sadd.s32 $0x8F2B, s0  }
0xbc: {  	[sflag:s0] =	ssyncadd.remote.s32 $0x1  }
0xbd: {  	_ =	sfence.sel $0xFFFF  }
0xbe: {  	[dreg:$0x0] =	wrdreg $0xFFFFFFFF;
	(pc) =	sbr.abs _section_cstart, $3  }
0xbf: {  	[dreg:$0x1] =	wrdreg $0xFFFFFFFF  }
0xc0: {  	_ =	task.clear_ibuf [dreg:s6], $0x2FFFF;
	_ =	strace $0x9FFFFFFF  }
0xc1: {  	(tm) =	ssettm $0x7FFFFFFF  }
tec
execute0_lowered:
.L_overlay_start_1:
0x0: {  	(tag) =	ssettag $0x1  }
0x1: {  	s8 =	rddreg [dreg:$0x0]  }
0x2: {  	s0 =	rddreg [dreg:$0x1];
	_ =	strace $0x80000047;
	s1 =	stileid.u32  }
0x3: {  	s3 =	srdreg.scid;
	s4 =	simm.s32 $0x1;
	s7 =	simm.s32 $0x1  }
0x4: {  	s9 =	simm.s32 $0x1;
	s10 =	simm.s32 $0x3;
	s13 =	simm.s32 $0x0  }
0x5: {  	s12 =	simm.s32 $0x0;
	s5 =	sand.u32 $0x1, s3;
	s6 =	sshll.u32 s1, $0x1  }
0x6: {  	s2 =	sadd.s32 $0x16A00, s8;
	s3 =	sadd.s32 $0x2A600, s8;
	s5 =	sor.u32 s6, s5  }
.Ltmp0:
0x7: {  	[sflag:s4] =	ssyncpa.u1 $0x0;
	p0 =	slt.u32 s5, $0x9;
	(pc) =	sbr.rel .LBB2_1-.Ltmp0, $4  }
0x8: {  	s6 =	simm.s32 $0x2;
	s7 =	simm.s32 @!p0 $0x0;
	p0 =	sne.s32 s5, $0x8  }
0x9: {  	[sflag:s6] =	ssyncpa.u1 $0x0;
	s5 =	smul.u32 $0x1F40, s5;
	s9 =	simm.s32 @!p0 $0x0  }
0xa: {  	s8 =	sadd.s32 $0x5B600, s8;
	[sflag:s10] =	ssyncpa.u1 $0x0;
	s7 =	sadd.s32 s9, s7  }
0xb: {  	vm0 =	vmmov $0xffff;
	s10 =	simm.s32 $0x0;
	s11 =	smov.u32 s5;
	s9 =	sadd.s32 $0x1, s7  }
.LBB2_4:
0xc: {  	v2 =	vnsel vm1, $0x0, v2  }
0xd: {  	vm1 =	vgt.s32 v0, $0x0;
	v2 =	vmin.u32 v2, $0x4E1FF  }
0xe: {  	v0 =	vnsel vm1, $0x0, v0  }
0xf: {  	v0 =	vmin.u32 v0, $0x4E1FF  }
0x10: {  	[tilespmem:s18], [sflag:$0x1] =	stream.indirect_vreg.gather [hbm4b:s2+s10], $0x1, v1, vm0, $0x4038;
	[tilespmem:$0x7D00] =	vst v63  }
0x11: {  	(ifvalue) =	ssetifvalue $0x7FFFFFFF  }
0x12: {  	[tilespmem:s15], [sflag:$0x1] =	stream.indirect_vreg.gather [hbm4b:s2+s10], $0x1, v2, vm0, $0x4038;
	[tilespmem:$0x7D00] =	vst v63  }
0x13: {  	s29 =	sadd.s32 $0x10, s15;
	(ifvalue) =	ssetifvalue $0x7FFFFFFF  }
0x14: {  	[tilespmem:s29], [sflag:$0x1] =	stream.indirect_vreg.gather [hbm4b:s2+s10], $0x1, v0, vm0, $0x4038;
	[tilespmem:$0x7D00] =	vst v63  }
0x15: {  	_ =	swait.ge [sflag:s4], $0x1F40  }
0x16: {  	s30 =	sshrl.u32 s13, $0x3;
	[sflag:s4] =	ssyncset.done $0x0  }
0x17: {  	s31 =	sand.u32 $0x7, s13;
	s15 =	sadd.s32 s8, s30;
	[sflag:s4] =	ssyncadd.s32 $0xFFFFE0C0  }
0x18: {  	[hbm4b:s15+s31] =	stream.linear.scatter [tilespmem:s14], [sflag:$0x3], $0x1F40, $0x38;
	[tilespmem:$0x7D00] =	vst v63  }
.LBB2_5:
0x19: {  	s15 =	sadd.s32 $0x3E800, s11  }
0x1a: {  	p1 =	sgt.s32 s15, $0x4E1FF  }
0x1b: {  	s15 =	smov.u32 @p1 s5;
	p1 =	sne.s32 s12, s9  }
.Ltmp1:
0x1c: {  	p0 =	slt.u32 s12, $0x2;
	(pc) =	sbr.rel @!p1 .LBB2_6-.Ltmp1, $4  }
0x1d: {  	s14 =	simm.s32 @!p0 $0x3  }
0x1e: {  	_ =	swait.ge @!p0 [sflag:s14], $0x1F40  }
0x1f: {  	s16 =	sadd.s32 $0x1, s12;
	s13 =	smov.u32 s11;
	[sflag:s14] =	ssyncset.done @!p0 $0x0  }
0x20: {  	s12 =	smov.u32 s16;
	s11 =	smov.u32 s15;
	[sflag:s14] =	ssyncadd.s32 @!p0 $0xFFFFE0C0  }
.LBB2_1:
0x21: {  	p0 =	sge.u32 s12, s7  }
0x22: {  	s14 =	sxor.u32 @!p0 $0x1, s12  }
0x23: {  	s14 =	smul.u32 @!p0 $0x7D00, s14  }
0x24: {  	s31 =	sadd.s32 $0xFFFFFFFF, s12;
	s15 =	sshrl.u32 @!p0 s11, $0x3  }
0x25: {  	s16 =	sand.u32 @!p0 $0x7, s11;
	s15 =	sadd.s32 @!p0 s3, s15;
	s14 =	sshra.s32 @!p0 s14, $0x2  }
0x26: {  	[tilespmem:s14], [sflag:$0x2] =	stream.linear.gather @!p0 [hbm4b:s15+s16], $0x1F40, $0x38;
	[tilespmem:$0x7D00] =	vst v63  }
0x27: {  	p0 =	sge.u32 s31, s7  }
.Ltmp2:
0x28: {  	_ = 	snop;
	(pc) =	sbr.rel @p0 .LBB2_5-.Ltmp2, $1  }
0x29: {  	_ =	sdelay $0x3  }
0x2a: {  	s14 =	sand.u32 $0x1, s12  }
0x2b: {  	_ =	swait.ge [sflag:s6], $0x1F40;
	p0 =	seq.s32 s14, $0x1;
	s14 =	simm.s32 $0x1F40  }
0x2c: {  	[sflag:s6] =	ssyncset.done $0x0;
	s14 =	simm.s32 @!p0 $0x0  }
0x2d: {  	[sflag:s6] =	ssyncadd.s32 $0xFFFFE0C0;
	(ifvalue) =	ssetifvalue $0x7FFFFFFF;
	v0 =	vld.msk [tilespmem:s14+$0x0 ss:$0x1], $0xffff;
	_ =	sdelay $0x4  }
0x2e: {  	s15 =	sadd.s32 $0x10, s14;
	vm1 =	vgt.s32 v0, $0x0  }
0x2f: {  	v2 =	vld.msk [tilespmem:s15+$0x0 ss:$0x1], $0xffff;
	v1 =	vnsel vm1, $0x0, v0  }
0x30: {  	v1 =	vmin.u32 v1, $0x4E1FF;
	_ =	sdelay $0x2  }
0x31: {  	s17 =	simm.s32 $0x20;
	s14 =	sadd.s32 $0x3E80, s14;
	s16 =	sadd.s32 $0x10, s15  }
0x32: {  	s15 =	sadd.s32 $0x10, s14;
	s18 =	smov.u32 s14;
	v0 =	vld.msk [tilespmem:s16+$0x0 ss:$0x1], $0xffff;
	vm1 =	vgt.s32 v2, $0x0;
	(ifvalue) =	ssetifvalue $0x7FFFFFFF  }
.LBB2_3:
0x33: {  	[tilespmem:s18], [sflag:$0x1] =	stream.indirect_vreg.gather [hbm4b:s2+s10], $0x1, v1, vm0, $0x4038;
	[tilespmem:$0x7D00] =	vst v63  }
0x34: {  	s17 =	sadd.s32 $0x10, s17  }
0x35: {  	v2 =	vnsel vm1, $0x0, v2;
	p0 =	slt.u32 s17, $0x1F30  }
.Ltmp3:
0x36: {  	s18 =	smov.u32 s15;
	v1 =	vmin.u32 v2, $0x4E1FF;
	(pc) =	sbr.rel @p0 .LBB2_3-.Ltmp3, $3  }
0x37: {  	_ =	sdelay $0x1  }
0x38: {  	s16 =	sadd.s32 $0x10, s16  }
0x39: {  	vm1 =	vgt.s32 v0, $0x0;
	s15 =	sadd.s32 $0x10, s15;
	v2 =	vmov v0;
	(ifvalue) =	ssetifvalue $0x7FFFFFFF;
	v0 =	vld.msk [tilespmem:s16+$0x0 ss:$0x1], $0xffff  }
.Ltmp4:
0x3a: {  	_ = 	snop;
	(pc) =	sbr.rel .LBB2_4-.Ltmp4, $1  }
0x3b: {  	_ =	sdelay $0x3  }
.LBB2_6:
0x3c: {  	_ =	sfence.sel $0x180000  }
0x3d: {  	s2 =	simm.s32 $0x2;
	[bflag:$0x0] =	sbarrier.arrive $0xFFFF  }
0x3e: {  	s30 =	simm.s32 $0x3;
	[sflag:s2] =	ssyncpa.u1 $0x1  }
0x3f: {  	s31 =	simm.s32 $0x1;
	[sflag:s30] =	ssyncpa.u1 $0x1  }
0x40: {  	[sflag:s31] =	ssyncpa.u1 $0x1  }
0x41: {  	p0 =	sne.s32 s1, $0x0;
	_ =	strace $0x90000047  }
0x42: {  	s0 =	sadd.s32 @!p0 $0x100000, s0;
	[bflag:$0x2] =	sbarrier.arrive $0xFFFF  }
0x43: {  	[sflag:s0] =	ssyncadd.tile.s32 @!p0 $0x1;
	_ =	shalt  }
.Lfunc_end2:
_tile_overlayer_lowered:
.L_overlay_start_2:
0x44: {  	(tag) =	ssettag $0x2  }
0x45: {  	s0 =	rddreg [dreg:$0x0];
	s2 =	stileid.u32  }
0x46: {  	s1 =	rddreg [dreg:$0x1];
	p0 =	sne.s32 s2, $0x0  }
0x47: {  	s3 =	rddreg [dreg:$0x2];
	[bflag:$0x3] =	sbarrier.arrive $0xFFFF;
	s2 =	simm.s32 @!p0 $0x1C01  }
0x48: {  	[timem:s3], [sflag:s2] =	dma.local @!p0 [hbm:s0], s1  }
0x49: {  	s0 =	simm.s32 @!p0 $0x1  }
0x4a: {  	_ =	swait.ge @!p0 [sflag:s0], s1  }
0x4b: {  	s1 =	ssub.s32 @!p0 $0x0, s1;
	[sflag:s0] =	ssyncset.done @!p0 $0x0  }
0x4c: {  	[sflag:s0] =	ssyncadd.s32 @!p0 s1  }
0x4d: {  	[bflag:$0x3] =	sbarrier.arrive $0xFFFF  }
0x4e: {  	_ =	shalt  }

</sc_bundles>
